<compile_context>
chip_gen: v7x
topology: tpu7x:2x2x1
jax: 0.10.2.dev20260603
libtpu: 0.0.44.dev20260713+nightly
codegen_flags: <defaults>
</compile_context>

<pallas_src>
import jax
import jax.numpy as jnp
from jax import lax
from jax.experimental import pallas as pl
from jax.experimental.pallas import tpu as pltpu
from jax.experimental.pallas import tpu_sc as plsc

N = 50000
E = 800000
NP = 51200
H = 64
QH = 16
G = 64
C = 5
NPR = NP // 8
RB = 640
NBL = NPR // RB
CH = 1000
EPW = E // 32
EPS = E // 16
SCH = 2000
NCHS = EPS // SCH
RPS = NP // 16
ZR = 320

_mesh = plsc.VectorSubcoreMesh(core_axis_name="c", subcore_axis_name="s")
_sc_params = pltpu.CompilerParams(use_tc_tiling_on_sc=False)


def _sc_hist_body(dst_hbm, hist_hbm, idst0, idst1, ones_v, z1, acc1,
                  ssem0, ssem1):
    cid = lax.axis_index("c")
    sid = lax.axis_index("s")
    wid = sid * 2 + cid
    idst = (idst0, idst1)
    ssem = (ssem0, ssem1)

    def idst_load(j, k):
        base = wid * EPW + k * CH
        pltpu.sync_copy(dst_hbm.at[pl.ds(base, CH)], idst[j])

    def scat_start(j):
        pltpu.async_copy(ones_v.at[pl.ds(0, CH)], acc1.at[idst[j]], ssem[j],
                         add=True)

    def scat_wait(j):
        pltpu.make_async_copy(ones_v.at[pl.ds(0, CH)], acc1.at[idst[j]],
                              ssem[j]).wait()

    @pl.loop(0, 64)
    def _(j):
        ones_v[pl.ds(j * 16, 16)] = jnp.ones((16,), jnp.float32)

    @pl.loop(0, ZR // 16)
    def _(j):
        z1[pl.ds(j * 16, 16)] = jnp.zeros((16,), jnp.float32)

    idst_load(0, 0)

    @pl.loop(0, RPS // ZR)
    def _(j):
        pltpu.sync_copy(z1, acc1.at[pl.ds(sid * RPS + j * ZR, ZR)])

    plsc.subcore_barrier()

    scat_start(0)

    @pl.loop(0, (EPW // CH - 1) // 2)
    def _(i):
        idst_load(1, 2 * i + 1)
        scat_wait(0)
        scat_start(1)
        idst_load(0, 2 * i + 2)
        scat_wait(1)
        scat_start(0)

    scat_wait(0)

    plsc.subcore_barrier()
    pltpu.sync_copy(acc1.at[pl.ds(sid * RPS, RPS)],
                    hist_hbm.at[pl.ds(cid * NP + sid * RPS, RPS)])


@jax.jit
def _sc_hist(dst):
    k = pl.kernel(
        _sc_hist_body,
        out_type=jax.ShapeDtypeStruct((2 * NP,), jnp.float32),
        mesh=_mesh,
        scratch_types=[
            pltpu.VMEM((CH,), jnp.int32),
            pltpu.VMEM((CH,), jnp.int32),
            pltpu.VMEM((1024,), jnp.float32),
            pltpu.VMEM((ZR,), jnp.float32),
            pltpu.VMEM_SHARED((NP,), jnp.float32),
            pltpu.SemaphoreType.DMA,
            pltpu.SemaphoreType.DMA,
        ],
        compiler_params=_sc_params,
    )
    return k(dst)


def _sc_scatter_body(src4_hbm, dst_hbm, u_hbm, s_hbm,
                     isrc0, isrc1, idst0, idst1, rows0, rows1, zbuf, acc,
                     gsem0, gsem1, isem0, isem1):
    cid = lax.axis_index("c")
    sid = lax.axis_index("s")
    isrc = (isrc0, isrc1)
    idst = (idst0, idst1)
    rows = (rows0, rows1)
    gsem = (gsem0, gsem1)
    isem = (isem0, isem1)

    @pl.loop(0, ZR)
    def _(r):
        zbuf[r, pl.ds(0, 16)] = jnp.zeros((16,), jnp.float32)

    @pl.loop(0, 2)
    def _(p):
        q = 2 * cid + p

        def isrc_start(j, k):
            kk = jnp.where(k < NCHS, k, 0)
            base = sid * EPS + kk * SCH
            pltpu.async_copy(src4_hbm.at[pl.ds(q * E + base, SCH)], isrc[j],
                             isem[j])

        def idst_start(j, k):
            kk = jnp.where(k < NCHS, k, 0)
            base = sid * EPS + kk * SCH
            pltpu.async_copy(dst_hbm.at[pl.ds(base, SCH)], idst[j], isem[j])

        def idx_wait(j):
            pltpu.make_async_copy(src4_hbm.at[pl.ds(0, SCH)], isrc[j],
                                  isem[j]).wait()
            pltpu.make_async_copy(dst_hbm.at[pl.ds(0, SCH)], idst[j],
                                  isem[j]).wait()

        def gather_start(j):
            pltpu.async_copy(u_hbm.at[isrc[j]], rows[j], gsem[j])

        def gather_wait(j):
            pltpu.make_async_copy(u_hbm.at[isrc[j]], rows[j], gsem[j]).wait()

        def scatter(j):
            pltpu.sync_copy(rows[j], acc.at[idst[j]], add=True)

        isrc_start(0, 0)
        idst_start(0, 0)
        isrc_start(1, 1)
        idst_start(1, 1)

        @pl.loop(0, RPS // ZR)
        def _(j):
            pltpu.sync_copy(zbuf, acc.at[pl.ds(sid * RPS + j * ZR, ZR)])

        idx_wait(0)
        gather_start(0)
        plsc.subcore_barrier()

        @pl.loop(0, (NCHS - 1) // 2)
        def _(i):
            idx_wait(1)
            gather_start(1)
            gather_wait(0)
            isrc_start(0, 2 * i + 2)
            scatter(0)
            idst_start(0, 2 * i + 2)
            idx_wait(0)
            gather_start(0)
            gather_wait(1)
            isrc_start(1, 2 * i + 3)
            scatter(1)
            idst_start(1, 2 * i + 3)

        gather_wait(0)
        scatter(0)
        idx_wait(1)

        plsc.subcore_barrier()
        pltpu.sync_copy(acc.at[pl.ds(sid * RPS, RPS)],
                        s_hbm.at[pl.ds(q * NP + sid * RPS, RPS)])


@jax.jit
def _sc_scatter(src4, dst, u):
    k = pl.kernel(
        _sc_scatter_body,
        out_type=jax.ShapeDtypeStruct((4 * NP, QH), jnp.float32),
        mesh=_mesh,
        scratch_types=[
            pltpu.VMEM((SCH,), jnp.int32),
            pltpu.VMEM((SCH,), jnp.int32),
            pltpu.VMEM((SCH,), jnp.int32),
            pltpu.VMEM((SCH,), jnp.int32),
            pltpu.VMEM((SCH, QH), jnp.float32),
            pltpu.VMEM((SCH, QH), jnp.float32),
            pltpu.VMEM((ZR, QH), jnp.float32),
            pltpu.VMEM_SHARED((NP, QH), jnp.float32),
            pltpu.SemaphoreType.DMA,
            pltpu.SemaphoreType.DMA,
            pltpu.SemaphoreType.DMA,
            pltpu.SemaphoreType.DMA,
        ],
        compiler_params=_sc_params,
    )
    return k(src4, dst, u)


def _a1_body(x_ref, w_ref, h0_ref, h1_ref, r_ref, o_ref, dinv_ref):
    dinv8 = lax.rsqrt(h0_ref[...] + h1_ref[...] + 1.0)
    dinv16 = jnp.dot(dinv8, r_ref[...], preferred_element_type=jnp.float32)
    dinv_ref[...] = dinv16
    o_ref[...] = jnp.dot(x_ref[...], w_ref[0],
                         preferred_element_type=jnp.float32) * dinv16


@jax.jit
def _a1(x_packed, Wbd1, h0_8, h1_8, R):
    return pl.pallas_call(
        _a1_body,
        grid=(NBL, 4),
        in_specs=[
            pl.BlockSpec((RB, 64), lambda i, q: (i, 0)),
            pl.BlockSpec((1, 64, 128), lambda i, q: (q, 0, 0)),
            pl.BlockSpec((RB, 8), lambda i, q: (i, 0)),
            pl.BlockSpec((RB, 8), lambda i, q: (i, 0)),
            pl.BlockSpec((8, 128), lambda i, q: (0, 0)),
        ],
        out_specs=[
            pl.BlockSpec((RB, 128), lambda i, q: (q * NBL + i, 0)),
            pl.BlockSpec((RB, 128), lambda i, q: (i, 0)),
        ],
        out_shape=[
            jax.ShapeDtypeStruct((4 * NPR, 128), jnp.float32),
            jax.ShapeDtypeStruct((NPR, 128), jnp.float32),
        ],
    )(x_packed, Wbd1, h0_8, h1_8, R)


def _h_quarters(s_refs, u_refs, dinv, b4):
    return [jnp.maximum((s_refs[q][...] + u_refs[q][...]) * dinv
                        + b4[q:q + 1, :], 0.0) for q in range(4)]


def _fused_body(s0, s1, s2, s3, u0, u1, u2, u3, dinv_ref, b4_ref, w_ref,
                o_ref, h_s):
    qo = pl.program_id(1)
    dinv = dinv_ref[...]

    @pl.when(qo == 0)
    def _():
        hs = _h_quarters((s0, s1, s2, s3), (u0, u1, u2, u3), dinv, b4_ref[...])
        for q in range(4):
            h_s[q] = hs[q]

    wb = w_ref[0]
    acc = jnp.dot(h_s[0], wb[0:128], preferred_element_type=jnp.float32)
    for q in range(1, 4):
        acc += jnp.dot(h_s[q], wb[128 * q:128 * (q + 1)],
                       preferred_element_type=jnp.float32)
    o_ref[...] = acc * dinv


@jax.jit
def _fused(s, u, dinv16, b4, Wbd):
    qspecs = [pl.BlockSpec((RB, 128), (lambda q: (lambda i, qo: (q * NBL + i, 0)))(q))
              for q in range(4)]
    return pl.pallas_call(
        _fused_body,
        grid=(NBL, 4),
        in_specs=qspecs + qspecs + [
            pl.BlockSpec((RB, 128), lambda i, qo: (i, 0)),
            pl.BlockSpec((4, 128), lambda i, qo: (0, 0)),
            pl.BlockSpec((1, 512, 128), lambda i, qo: (qo, 0, 0)),
        ],
        out_specs=pl.BlockSpec((RB, 128), lambda i, qo: (qo * NBL + i, 0)),
        out_shape=jax.ShapeDtypeStruct((4 * NPR, 128), jnp.float32),
        scratch_shapes=[pltpu.VMEM((4, RB, 128), jnp.float32)],
    )(s, s, s, s, u, u, u, u, dinv16, b4, Wbd)


def _h3pool_body(s0, s1, s2, s3, u0, u1, u2, u3, dinv_ref, b4_ref, bt_ref,
                 wl_ref, bl_ref, o_ref, acc):
    i = pl.program_id(0)

    @pl.when(i == 0)
    def _():
        acc[...] = jnp.zeros((G, 128), jnp.float32)

    hq = _h_quarters((s0, s1, s2, s3), (u0, u1, u2, u3), dinv_ref[...],
                     b4_ref[...])
    bt = bt_ref[...]
    iota_g = lax.broadcasted_iota(jnp.int32, (RB, G), 1)
    ones_blk = jnp.ones((RB, G), jnp.float32)
    a = acc[...]
    for sub in range(8):
        oh = (bt[:, sub:sub + 1] == iota_g).astype(jnp.float32)
        hcat = jnp.concatenate(
            [hq[q][:, QH * sub:QH * (sub + 1)] for q in range(4)]
            + [ones_blk], axis=1)
        a += lax.dot_general(oh, hcat, (((0,), (0,)), ((), ())),
                             preferred_element_type=jnp.float32)
    acc[...] = a

    @pl.when(i == NBL - 1)
    def _():
        fp = a[:, :H] / jnp.maximum(a[:, H:], 1.0)
        o_ref[...] = jnp.dot(fp, wl_ref[...],
                             preferred_element_type=jnp.float32) + bl_ref[...]


@jax.jit
def _h3pool(s, u, dinv16, b4, batch_pk, Wl, bl2):
    qspecs = [pl.BlockSpec((RB, 128), (lambda q: (lambda i: (q * NBL + i, 0)))(q))
              for q in range(4)]
    return pl.pallas_call(
        _h3pool_body,
        grid=(NBL,),
        in_specs=qspecs + qspecs + [
            pl.BlockSpec((RB, 128), lambda i: (i, 0)),
            pl.BlockSpec((4, 128), lambda i: (0, 0)),
            pl.BlockSpec((RB, 8), lambda i: (i, 0)),
            pl.BlockSpec((H, C), lambda i: (0, 0)),
            pl.BlockSpec((1, C), lambda i: (0, 0)),
        ],
        out_specs=pl.BlockSpec((G, C), lambda i: (0, 0)),
        out_shape=jax.ShapeDtypeStruct((G, C), jnp.float32),
        scratch_shapes=[pltpu.VMEM((G, 128), jnp.float32)],
    )(s, s, s, s, u, u, u, u, dinv16, b4, batch_pk, Wl, bl2)


def kernel(x, edge_index, batch, W1, b1, W2, b2, W3, b3, Wl, bl):
    f32 = jnp.float32
    src = edge_index[0]
    dst = edge_index[1]
    src4 = jnp.concatenate([src + q * NP for q in range(4)])
    batch_pk = jnp.pad(batch, (0, NP - N), constant_values=G).reshape(NPR, 8)
    x_packed = jnp.pad(x, ((0, NP - N), (0, 5))).reshape(NPR, 64)

    eye8 = jnp.eye(8, dtype=f32)
    R = jnp.kron(eye8, jnp.ones((1, QH), f32))

    def bd1(q):
        wq = jnp.pad(W1[:, QH * q:QH * (q + 1)], ((0, 5), (0, 0)))
        return jnp.kron(eye8, wq)

    Wbd1 = jnp.stack([bd1(q) for q in range(4)])

    def bd(W):
        return jnp.stack([
            jnp.concatenate(
                [jnp.kron(eye8, W[QH * qi:QH * (qi + 1), QH * qo:QH * (qo + 1)])
                 for qi in range(4)], axis=0)
            for qo in range(4)])

    def pack_bias(b):
        return jnp.tile(b.reshape(4, QH), (1, 8))

    hist = _sc_hist(dst)
    u, dinv16 = _a1(x_packed, Wbd1, hist[:NP].reshape(NPR, 8),
                    hist[NP:].reshape(NPR, 8), R)
    s = _sc_scatter(src4, dst, u.reshape(4 * NP, QH))
    u = _fused(s.reshape(4 * NPR, 128), u, dinv16, pack_bias(b1), bd(W2))
    s = _sc_scatter(src4, dst, u.reshape(4 * NP, QH))
    u = _fused(s.reshape(4 * NPR, 128), u, dinv16, pack_bias(b2), bd(W3))
    s = _sc_scatter(src4, dst, u.reshape(4 * NP, QH))
    return _h3pool(s.reshape(4 * NPR, 128), u, dinv16, pack_bias(b3),
                   batch_pk, Wl, bl.reshape(1, C))

# --- scband reference (transcript-rebuilt; emitter-appended) ---
"""Pipeline reference for scband-gcn-optimizer-86552180949235 (READ-ONLY COPY).

The authoritative reference and input builder live on the scoring server;
editing this copy changes nothing except your own understanding.
"""

import jax, jax.numpy as jnp
import numpy as np

N = 50000
E = 800000
F_IN = 3
H = 64
G = 64
C = 5


def gcn_conv(x, edge_index, W, b):
    # Faithful GCNConv: add self-loops, symmetric normalization D^-1/2 (A+I) D^-1/2 X W + b
    n = x.shape[0]
    loop = jnp.arange(n, dtype=edge_index.dtype)
    src = jnp.concatenate([edge_index[0], loop])
    dst = jnp.concatenate([edge_index[1], loop])
    deg = jnp.zeros((n,), x.dtype).at[dst].add(1.0)
    dinv = jnp.where(deg > 0, jax.lax.rsqrt(deg), 0.0)
    norm = dinv[src] * dinv[dst]
    xw = x @ W
    msg = xw[src] * norm[:, None]
    out = jnp.zeros((n, W.shape[1]), x.dtype).at[dst].add(msg)
    return out + b


def global_mean_pool(x, batch, num_graphs):
    sums = jax.ops.segment_sum(x, batch, num_segments=num_graphs)
    counts = jax.ops.segment_sum(jnp.ones((x.shape[0], 1), x.dtype), batch, num_segments=num_graphs)
    return sums / jnp.maximum(counts, 1.0)


def setup_inputs(seed: int = 0) -> dict:
    key = jax.random.key(seed)
    ks = jax.random.split(key, 12)
    x = jax.random.normal(ks[0], (N, F_IN), dtype=jnp.float32)
    edge_index = jax.random.randint(ks[1], (2, E), 0, N, dtype=jnp.int32)
    batch = jnp.sort(jax.random.randint(ks[2], (N,), 0, G, dtype=jnp.int32))
    s1 = 1.0 / np.sqrt(F_IN)
    s2 = 1.0 / np.sqrt(H)
    W1 = jax.random.uniform(ks[3], (F_IN, H), jnp.float32, -s1, s1)
    b1 = jnp.zeros((H,), jnp.float32)
    W2 = jax.random.uniform(ks[4], (H, H), jnp.float32, -s2, s2)
    b2 = jnp.zeros((H,), jnp.float32)
    W3 = jax.random.uniform(ks[5], (H, H), jnp.float32, -s2, s2)
    b3 = jnp.zeros((H,), jnp.float32)
    Wl = jax.random.uniform(ks[6], (H, C), jnp.float32, -s2, s2)
    bl = jax.random.uniform(ks[7], (C,), jnp.float32, -s2, s2)
    return {"x": x, "edge_index": edge_index, "batch": batch, "W1": W1, "b1": b1, "W2": W2, "b2": b2, "W3": W3, "b3": b3, "Wl": Wl, "bl": bl}


def reference(x, edge_index, batch, W1, b1, W2, b2, W3, b3, Wl, bl):
    h = jax.nn.relu(gcn_conv(x, edge_index, W1, b1))
    h = jax.nn.relu(gcn_conv(h, edge_index, W2, b2))
    h = jax.nn.relu(gcn_conv(h, edge_index, W3, b3))
    fingerprint = global_mean_pool(h, batch, G)
    # dropout is identity in eval mode
    out = fingerprint @ Wl + bl
    return out

if __name__ == "__main__":
    import jax
    _d = setup_inputs()
    print(jax.jit(kernel)(*tuple(_d.values())))

</pallas_src>

<mosaic_0001>
#map = affine_map<(d0, d1) -> (0)>
module attributes {stable_mosaic.version = 14 : i64} {
  func.func @_sc_hist_body(%arg0: i32, %arg1: i32, %arg2: memref<800000xi32, #tpu.memory_space<hbm>>, %arg3: memref<102400xf32, #tpu.memory_space<hbm>>, %arg4: memref<1000xi32, #tpu.memory_space<vmem>>, %arg5: memref<1000xi32, #tpu.memory_space<vmem>>, %arg6: memref<1024xf32, #tpu.memory_space<vmem>>, %arg7: memref<320xf32, #tpu.memory_space<vmem>>, %arg8: memref<51200xf32, #tpu.memory_space<vmem_shared>>, %arg9: memref<!tpu.dma_semaphore, #tpu.memory_space<semaphore_mem>>, %arg10: memref<!tpu.dma_semaphore, #tpu.memory_space<semaphore_mem>>) attributes {dimension_semantics = [#tpu.dimension_semantics<core_parallel>, #tpu.dimension_semantics<subcore_parallel>], iteration_bounds = array<i64: 2, 16>, scalar_prefetch = 0 : i64, scratch_operands = 7 : i64, tpu.core_type = #tpu.core_type<sc_vector_subcore>, window_params = [{transform_indices = #map}, {transform_indices = #map}]} {
    %mul3A = arith.constant 2 : i32
    %mul3A_0 = arith.muli %arg1, %mul3A : i32
    %add3A = arith.addi %mul3A_0, %arg0 : i32
    %scan3A = arith.constant 0 : i32
    %scan3A_1 = arith.constant 64 : i32
    %scan3A_2 = arith.addi %scan3A, %scan3A_1 : i32
    %scan3A_3 = arith.constant 1 : i32
    scf.for %scan3A_38 = %scan3A to %scan3A_2 step %scan3A_3  : i32 {
      %mul3A_39 = arith.constant 1 : i32
      %mul3A_40 = arith.muli %scan3A_38, %mul3A_39 : i32
      %add3A_41 = arith.constant 0 : i32
      %add3A_42 = arith.addi %add3A_41, %mul3A_40 : i32
      %broadcast_in_dim3A = arith.constant 1.000000e+00 : f32
      %broadcast_in_dim3A_43 = vector.broadcast %broadcast_in_dim3A : f32 to vector<16xf32>
      %mul3A_44 = arith.constant 16 : i32
      %mul3A_45 = arith.muli %add3A_42, %mul3A_44 : i32
      %swap3A = arith.index_cast %mul3A_45 : i32 to index
      %swap3A_46 = tpu.vector_load %arg6[%swap3A] {strides = array<i32>} : memref<1024xf32, #tpu.memory_space<vmem>>, vector<16xf32>,
      %swap3A_47 = vector.shape_cast %swap3A_46 : vector<16xf32> to vector<16xf32>
      %swap3A_48 = vector.shape_cast %broadcast_in_dim3A_43 : vector<16xf32> to vector<16xf32>
      tpu.vector_store %arg6[%swap3A], %swap3A_48 {strides = array<i32>} : memref<1024xf32, #tpu.memory_space<vmem>>, vector<16xf32>,
    }
    %scan3A_4 = arith.constant 64 : i32
    %scan3A_5 = arith.constant 0 : i32
    %scan3A_6 = arith.constant 20 : i32
    %scan3A_7 = arith.addi %scan3A_5, %scan3A_6 : i32
    %scan3A_8 = arith.constant 1 : i32
    scf.for %scan3A_38 = %scan3A_5 to %scan3A_7 step %scan3A_8  : i32 {
      %mul3A_39 = arith.constant 1 : i32
      %mul3A_40 = arith.muli %scan3A_38, %mul3A_39 : i32
      %add3A_41 = arith.constant 0 : i32
      %add3A_42 = arith.addi %add3A_41, %mul3A_40 : i32
      %broadcast_in_dim3A = arith.constant 0.000000e+00 : f32
      %broadcast_in_dim3A_43 = vector.broadcast %broadcast_in_dim3A : f32 to vector<16xf32>
      %mul3A_44 = arith.constant 16 : i32
      %mul3A_45 = arith.muli %add3A_42, %mul3A_44 : i32
      %swap3A = arith.index_cast %mul3A_45 : i32 to index
      %swap3A_46 = tpu.vector_load %arg7[%swap3A] {strides = array<i32>} : memref<320xf32, #tpu.memory_space<vmem>>, vector<16xf32>,
      %swap3A_47 = vector.shape_cast %swap3A_46 : vector<16xf32> to vector<16xf32>
      %swap3A_48 = vector.shape_cast %broadcast_in_dim3A_43 : vector<16xf32> to vector<16xf32>
      tpu.vector_store %arg7[%swap3A], %swap3A_48 {strides = array<i32>} : memref<320xf32, #tpu.memory_space<vmem>>, vector<16xf32>,
    }
    %scan3A_9 = arith.constant 20 : i32
    %mul3A_10 = arith.constant 25000 : i32
    %mul3A_11 = arith.muli %add3A, %mul3A_10 : i32
    %add3A_12 = arith.constant 0 : i32
    %add3A_13 = arith.addi %mul3A_11, %add3A_12 : i32
    "tpu.region"() ({
      %run_scoped3A = tpu.sem_alloc : memref<!tpu.dma_semaphore, #tpu.memory_space<semaphore_mem>>
      %dma_start3A_38 = tpu.memref_slice %arg2[%add3A_13] : memref<800000xi32, #tpu.memory_space<hbm>> -> memref<1000xi32, #tpu.memory_space<hbm>>
      %dma_start3A_39 = tpu.memref_slice %arg2[%add3A_13] : memref<800000xi32, #tpu.memory_space<hbm>> -> memref<1000xi32, #tpu.memory_space<hbm>>
      tpu.enqueue_dma source(%dma_start3A_39 : memref<1000xi32, #tpu.memory_space<hbm>>) target(%arg4 : memref<1000xi32, #tpu.memory_space<vmem>>) target_semaphore(%run_scoped3A : memref<!tpu.dma_semaphore, #tpu.memory_space<semaphore_mem>>)
      %dma_wait3A_40 = tpu.memref_slice %arg2[%add3A_13] : memref<800000xi32, #tpu.memory_space<hbm>> -> memref<1000xi32, #tpu.memory_space<hbm>>
      %dma_wait3A_41 = tpu.memref_slice %arg2[%add3A_13] : memref<800000xi32, #tpu.memory_space<hbm>> -> memref<1000xi32, #tpu.memory_space<hbm>>
      tpu.wait_dma2 semaphore(%run_scoped3A : memref<!tpu.dma_semaphore, #tpu.memory_space<semaphore_mem>>) src(%dma_wait3A_41 : memref<1000xi32, #tpu.memory_space<hbm>>) dst(%arg4 : memref<1000xi32, #tpu.memory_space<vmem>>)
      tpu.yield
    }) : () -> ()
    %scan3A_14 = arith.constant 0 : i32
    %scan3A_15 = arith.constant 10 : i32
    %scan3A_16 = arith.addi %scan3A_14, %scan3A_15 : i32
    %scan3A_17 = arith.constant 1 : i32
    scf.for %scan3A_38 = %scan3A_14 to %scan3A_16 step %scan3A_17  : i32 {
      %mul3A_39 = arith.constant 1 : i32
      %mul3A_40 = arith.muli %scan3A_38, %mul3A_39 : i32
      %add3A_41 = arith.constant 0 : i32
      %add3A_42 = arith.addi %add3A_41, %mul3A_40 : i32
      %mul3A_43 = arith.constant 3200 : i32
      %mul3A_44 = arith.muli %arg1, %mul3A_43 : i32
      %mul3A_45 = arith.constant 320 : i32
      %mul3A_46 = arith.muli %add3A_42, %mul3A_45 : i32
      %add3A_47 = arith.addi %mul3A_44, %mul3A_46 : i32
      "tpu.region"() ({
        %run_scoped3A = tpu.sem_alloc : memref<!tpu.dma_semaphore, #tpu.memory_space<semaphore_mem>>
        %dma_start3A_48 = tpu.memref_slice %arg8[%add3A_47] : memref<51200xf32, #tpu.memory_space<vmem_shared>> -> memref<320xf32, #tpu.memory_space<vmem_shared>>
        %dma_start3A_49 = tpu.memref_slice %arg8[%add3A_47] : memref<51200xf32, #tpu.memory_space<vmem_shared>> -> memref<320xf32, #tpu.memory_space<vmem_shared>>
        tpu.enqueue_dma source(%arg7 : memref<320xf32, #tpu.memory_space<vmem>>) target(%dma_start3A_49 : memref<320xf32, #tpu.memory_space<vmem_shared>>) target_semaphore(%run_scoped3A : memref<!tpu.dma_semaphore, #tpu.memory_space<semaphore_mem>>)
        %dma_wait3A_50 = tpu.memref_slice %arg8[%add3A_47] : memref<51200xf32, #tpu.memory_space<vmem_shared>> -> memref<320xf32, #tpu.memory_space<vmem_shared>>
        %dma_wait3A_51 = tpu.memref_slice %arg8[%add3A_47] : memref<51200xf32, #tpu.memory_space<vmem_shared>> -> memref<320xf32, #tpu.memory_space<vmem_shared>>
        tpu.wait_dma2 semaphore(%run_scoped3A : memref<!tpu.dma_semaphore, #tpu.memory_space<semaphore_mem>>) src(%arg7 : memref<320xf32, #tpu.memory_space<vmem>>) dst(%dma_wait3A_51 : memref<320xf32, #tpu.memory_space<vmem_shared>>)
        tpu.yield
      }) : () -> ()
    }
    %scan3A_18 = arith.constant 10 : i32
    %barrier3A = arith.constant 0 : index
    tpu.barrier barrier_id(%barrier3A)
    %dma_start3A = arith.constant 0 : i32
    %dma_start3A_19 = tpu.memref_slice %arg6[%dma_start3A] : memref<1024xf32, #tpu.memory_space<vmem>> -> memref<1000xf32, #tpu.memory_space<vmem>>
    %dma_start3A_20 = arith.constant 0 : i32
    %dma_start3A_21 = tpu.memref_slice %arg8[%dma_start3A_20] : memref<51200xf32, #tpu.memory_space<vmem_shared>> -> memref<51200xf32, #tpu.memory_space<vmem_shared>>
    tpu.enqueue_indirect_dma source(%dma_start3A_19 : memref<1000xf32, #tpu.memory_space<vmem>>) target(%dma_start3A_21 : memref<51200xf32, #tpu.memory_space<vmem_shared>>) offsets(%arg4 : memref<1000xi32, #tpu.memory_space<vmem>>) semaphore(%arg9 : memref<!tpu.dma_semaphore, #tpu.memory_space<semaphore_mem>>) {add = true}
    %scan3A_22 = arith.constant 0 : i32
    %scan3A_23 = arith.constant 12 : i32
    %scan3A_24 = arith.addi %scan3A_22, %scan3A_23 : i32
    %scan3A_25 = arith.constant 1 : i32
    scf.for %scan3A_38 = %scan3A_22 to %scan3A_24 step %scan3A_25  : i32 {
      %mul3A_39 = arith.constant 1 : i32
      %mul3A_40 = arith.muli %scan3A_38, %mul3A_39 : i32
      %add3A_41 = arith.constant 0 : i32
      %add3A_42 = arith.addi %add3A_41, %mul3A_40 : i32
      %mul3A_43 = arith.constant 2 : i32
      %mul3A_44 = arith.muli %mul3A_43, %add3A_42 : i32
      %add3A_45 = arith.constant 1 : i32
      %add3A_46 = arith.addi %mul3A_44, %add3A_45 : i32
      %mul3A_47 = arith.constant 25000 : i32
      %mul3A_48 = arith.muli %add3A, %mul3A_47 : i32
      %mul3A_49 = arith.constant 1000 : i32
      %mul3A_50 = arith.muli %add3A_46, %mul3A_49 : i32
      %add3A_51 = arith.addi %mul3A_48, %mul3A_50 : i32
      "tpu.region"() ({
        %run_scoped3A = tpu.sem_alloc : memref<!tpu.dma_semaphore, #tpu.memory_space<semaphore_mem>>
        %dma_start3A_77 = tpu.memref_slice %arg2[%add3A_51] : memref<800000xi32, #tpu.memory_space<hbm>> -> memref<1000xi32, #tpu.memory_space<hbm>>
        %dma_start3A_78 = tpu.memref_slice %arg2[%add3A_51] : memref<800000xi32, #tpu.memory_space<hbm>> -> memref<1000xi32, #tpu.memory_space<hbm>>
        tpu.enqueue_dma source(%dma_start3A_78 : memref<1000xi32, #tpu.memory_space<hbm>>) target(%arg5 : memref<1000xi32, #tpu.memory_space<vmem>>) target_semaphore(%run_scoped3A : memref<!tpu.dma_semaphore, #tpu.memory_space<semaphore_mem>>)
        %dma_wait3A_79 = tpu.memref_slice %arg2[%add3A_51] : memref<800000xi32, #tpu.memory_space<hbm>> -> memref<1000xi32, #tpu.memory_space<hbm>>
        %dma_wait3A_80 = tpu.memref_slice %arg2[%add3A_51] : memref<800000xi32, #tpu.memory_space<hbm>> -> memref<1000xi32, #tpu.memory_space<hbm>>
        tpu.wait_dma2 semaphore(%run_scoped3A : memref<!tpu.dma_semaphore, #tpu.memory_space<semaphore_mem>>) src(%dma_wait3A_80 : memref<1000xi32, #tpu.memory_space<hbm>>) dst(%arg5 : memref<1000xi32, #tpu.memory_space<vmem>>)
        tpu.yield
      }) : () -> ()
      %dma_wait3A_52 = arith.constant 0 : i32
      %dma_wait3A_53 = tpu.memref_slice %arg6[%dma_wait3A_52] : memref<1024xf32, #tpu.memory_space<vmem>> -> memref<1000xf32, #tpu.memory_space<vmem>>
      %dma_wait3A_54 = arith.constant 0 : i32
      %dma_wait3A_55 = tpu.memref_slice %arg8[%dma_wait3A_54] : memref<51200xf32, #tpu.memory_space<vmem_shared>> -> memref<51200xf32, #tpu.memory_space<vmem_shared>>
      tpu.wait_indirect_dma semaphore(%arg9 : memref<!tpu.dma_semaphore, #tpu.memory_space<semaphore_mem>>) src(%dma_wait3A_53 : memref<1000xf32, #tpu.memory_space<vmem>>) dst(%dma_wait3A_55 : memref<51200xf32, #tpu.memory_space<vmem_shared>>)
      %dma_start3A_56 = arith.constant 0 : i32
      %dma_start3A_57 = tpu.memref_slice %arg6[%dma_start3A_56] : memref<1024xf32, #tpu.memory_space<vmem>> -> memref<1000xf32, #tpu.memory_space<vmem>>
      %dma_start3A_58 = arith.constant 0 : i32
      %dma_start3A_59 = tpu.memref_slice %arg8[%dma_start3A_58] : memref<51200xf32, #tpu.memory_space<vmem_shared>> -> memref<51200xf32, #tpu.memory_space<vmem_shared>>
      tpu.enqueue_indirect_dma source(%dma_start3A_57 : memref<1000xf32, #tpu.memory_space<vmem>>) target(%dma_start3A_59 : memref<51200xf32, #tpu.memory_space<vmem_shared>>) offsets(%arg5 : memref<1000xi32, #tpu.memory_space<vmem>>) semaphore(%arg10 : memref<!tpu.dma_semaphore, #tpu.memory_space<semaphore_mem>>) {add = true}
      %mul3A_60 = arith.constant 2 : i32
      %mul3A_61 = arith.muli %mul3A_60, %add3A_42 : i32
      %add3A_62 = arith.constant 2 : i32
      %add3A_63 = arith.addi %mul3A_61, %add3A_62 : i32
      %mul3A_64 = arith.constant 25000 : i32
      %mul3A_65 = arith.muli %add3A, %mul3A_64 : i32
      %mul3A_66 = arith.constant 1000 : i32
      %mul3A_67 = arith.muli %add3A_63, %mul3A_66 : i32
      %add3A_68 = arith.addi %mul3A_65, %mul3A_67 : i32
      "tpu.region"() ({
        %run_scoped3A = tpu.sem_alloc : memref<!tpu.dma_semaphore, #tpu.memory_space<semaphore_mem>>
        %dma_start3A_77 = tpu.memref_slice %arg2[%add3A_68] : memref<800000xi32, #tpu.memory_space<hbm>> -> memref<1000xi32, #tpu.memory_space<hbm>>
        %dma_start3A_78 = tpu.memref_slice %arg2[%add3A_68] : memref<800000xi32, #tpu.memory_space<hbm>> -> memref<1000xi32, #tpu.memory_space<hbm>>
        tpu.enqueue_dma source(%dma_start3A_78 : memref<1000xi32, #tpu.memory_space<hbm>>) target(%arg4 : memref<1000xi32, #tpu.memory_space<vmem>>) target_semaphore(%run_scoped3A : memref<!tpu.dma_semaphore, #tpu.memory_space<semaphore_mem>>)
        %dma_wait3A_79 = tpu.memref_slice %arg2[%add3A_68] : memref<800000xi32, #tpu.memory_space<hbm>> -> memref<1000xi32, #tpu.memory_space<hbm>>
        %dma_wait3A_80 = tpu.memref_slice %arg2[%add3A_68] : memref<800000xi32, #tpu.memory_space<hbm>> -> memref<1000xi32, #tpu.memory_space<hbm>>
        tpu.wait_dma2 semaphore(%run_scoped3A : memref<!tpu.dma_semaphore, #tpu.memory_space<semaphore_mem>>) src(%dma_wait3A_80 : memref<1000xi32, #tpu.memory_space<hbm>>) dst(%arg4 : memref<1000xi32, #tpu.memory_space<vmem>>)
        tpu.yield
      }) : () -> ()
      %dma_wait3A_69 = arith.constant 0 : i32
      %dma_wait3A_70 = tpu.memref_slice %arg6[%dma_wait3A_69] : memref<1024xf32, #tpu.memory_space<vmem>> -> memref<1000xf32, #tpu.memory_space<vmem>>
      %dma_wait3A_71 = arith.constant 0 : i32
      %dma_wait3A_72 = tpu.memref_slice %arg8[%dma_wait3A_71] : memref<51200xf32, #tpu.memory_space<vmem_shared>> -> memref<51200xf32, #tpu.memory_space<vmem_shared>>
      tpu.wait_indirect_dma semaphore(%arg10 : memref<!tpu.dma_semaphore, #tpu.memory_space<semaphore_mem>>) src(%dma_wait3A_70 : memref<1000xf32, #tpu.memory_space<vmem>>) dst(%dma_wait3A_72 : memref<51200xf32, #tpu.memory_space<vmem_shared>>)
      %dma_start3A_73 = arith.constant 0 : i32
      %dma_start3A_74 = tpu.memref_slice %arg6[%dma_start3A_73] : memref<1024xf32, #tpu.memory_space<vmem>> -> memref<1000xf32, #tpu.memory_space<vmem>>
      %dma_start3A_75 = arith.constant 0 : i32
      %dma_start3A_76 = tpu.memref_slice %arg8[%dma_start3A_75] : memref<51200xf32, #tpu.memory_space<vmem_shared>> -> memref<51200xf32, #tpu.memory_space<vmem_shared>>
      tpu.enqueue_indirect_dma source(%dma_start3A_74 : memref<1000xf32, #tpu.memory_space<vmem>>) target(%dma_start3A_76 : memref<51200xf32, #tpu.memory_space<vmem_shared>>) offsets(%arg4 : memref<1000xi32, #tpu.memory_space<vmem>>) semaphore(%arg9 : memref<!tpu.dma_semaphore, #tpu.memory_space<semaphore_mem>>) {add = true}
    }
    %scan3A_26 = arith.constant 12 : i32
    %dma_wait3A = arith.constant 0 : i32
    %dma_wait3A_27 = tpu.memref_slice %arg6[%dma_wait3A] : memref<1024xf32, #tpu.memory_space<vmem>> -> memref<1000xf32, #tpu.memory_space<vmem>>
    %dma_wait3A_28 = arith.constant 0 : i32
    %dma_wait3A_29 = tpu.memref_slice %arg8[%dma_wait3A_28] : memref<51200xf32, #tpu.memory_space<vmem_shared>> -> memref<51200xf32, #tpu.memory_space<vmem_shared>>
    tpu.wait_indirect_dma semaphore(%arg9 : memref<!tpu.dma_semaphore, #tpu.memory_space<semaphore_mem>>) src(%dma_wait3A_27 : memref<1000xf32, #tpu.memory_space<vmem>>) dst(%dma_wait3A_29 : memref<51200xf32, #tpu.memory_space<vmem_shared>>)
    %barrier3A_30 = arith.constant 0 : index
    tpu.barrier barrier_id(%barrier3A_30)
    %mul3A_31 = arith.constant 3200 : i32
    %mul3A_32 = arith.muli %arg1, %mul3A_31 : i32
    %mul3A_33 = arith.constant 51200 : i32
    %mul3A_34 = arith.muli %arg0, %mul3A_33 : i32
    %mul3A_35 = arith.constant 3200 : i32
    %mul3A_36 = arith.muli %arg1, %mul3A_35 : i32
    %add3A_37 = arith.addi %mul3A_34, %mul3A_36 : i32
    "tpu.region"() ({
      %run_scoped3A = tpu.sem_alloc : memref<!tpu.dma_semaphore, #tpu.memory_space<semaphore_mem>>
      %dma_start3A_38 = tpu.memref_slice %arg3[%add3A_37] : memref<102400xf32, #tpu.memory_space<hbm>> -> memref<3200xf32, #tpu.memory_space<hbm>>
      %dma_start3A_39 = tpu.memref_slice %arg8[%mul3A_32] : memref<51200xf32, #tpu.memory_space<vmem_shared>> -> memref<3200xf32, #tpu.memory_space<vmem_shared>>
      tpu.enqueue_dma source(%dma_start3A_39 : memref<3200xf32, #tpu.memory_space<vmem_shared>>) target(%dma_start3A_38 : memref<3200xf32, #tpu.memory_space<hbm>>) target_semaphore(%run_scoped3A : memref<!tpu.dma_semaphore, #tpu.memory_space<semaphore_mem>>)
      %dma_wait3A_40 = tpu.memref_slice %arg3[%add3A_37] : memref<102400xf32, #tpu.memory_space<hbm>> -> memref<3200xf32, #tpu.memory_space<hbm>>
      %dma_wait3A_41 = tpu.memref_slice %arg8[%mul3A_32] : memref<51200xf32, #tpu.memory_space<vmem_shared>> -> memref<3200xf32, #tpu.memory_space<vmem_shared>>
      tpu.wait_dma2 semaphore(%run_scoped3A : memref<!tpu.dma_semaphore, #tpu.memory_space<semaphore_mem>>) src(%dma_wait3A_41 : memref<3200xf32, #tpu.memory_space<vmem_shared>>) dst(%dma_wait3A_40 : memref<3200xf32, #tpu.memory_space<hbm>>)
      tpu.yield
    }) : () -> ()
    return
  }
}

</mosaic_0001>

<sc_bundles>
// kernel: _sc_hist.3.cloned.1.call-start
scs
__scs_entry_jumppad:
0x0: {  	(pc) =	sbr.rel $0x88, $3  }
0x1: {  	(tag) =	ssettag $0x0;
	lr =	simm.s32 $0x1  }
0x2: {  	[smem:$0x3FA0] =	sst lr;
	_ =	strace $0xD0000000  }
0x3: {  	_ = 	snop  }
0x4: {  	_ = 	snop  }
0x5: {  	_ = 	snop  }
0x6: {  	_ = 	snop  }
0x7: {  	_ = 	snop  }
__scs_overlays_trampoline_lowered:
0x8: {  	[smem:$0x3FAF] =	sst s0  }
0x9: {  	[smem:$0x3FB0] =	sst s1  }
0xa: {  	[smem:$0x3FB1] =	sst s2  }
0xb: {  	[smem:$0x3FB2] =	sst s3  }
0xc: {  	[smem:$0x3FB3] =	sst s4  }
0xd: {  	[smem:$0x3FB4] =	sst s5  }
0xe: {  	[smem:$0x3FB5] =	sst s6  }
0xf: {  	[smem:$0x3FB6] =	sst s7  }
0x10: {  	[smem:$0x3FB7] =	sst s8  }
0x11: {  	[smem:$0x3FB8] =	sst s9;
	s0 =	simm.s32 @!p0 $0x0  }
0x12: {  	s1 =	sld [smem:$0x3F9E];
	s0 =	simm.s32 @p0 $0x1  }
0x13: {  	[smem:$0x3FB9] =	sst s0;
	s0 =	simm.s32 @!p1 $0x0  }
0x14: {  	s2 =	sld [smem:$0x3F9D];
	s0 =	simm.s32 @p1 $0x1  }
0x15: {  	[smem:$0x3FBA] =	sst s0;
	s0 =	simm.s32 @!p2 $0x0  }
0x16: {  	s3 =	sld [smem:$0x3FDB];
	s0 =	simm.s32 @p2 $0x1  }
0x17: {  	s4 =	simm.s32 $0x1BF5;
	[smem:$0x3FBC] =	sst s0  }
0x18: {  	s0 =	sld [smem:$0x3F9F];
	_ =	swait.ge [sflag:s4], $0x0  }
0x19: {  	s7 =	sld [smem:$0x3FA0]  }
0x1a: {  	s8 =	sadd.s32 $0xFFFFE003, lr  }
0x1b: {  	s9 =	sadd.s32 $0xFFFFFEF7, lr;
	s5 =	simm.s32 $0xFFFFFFFF;
	p2 =	slt.u32 s8, $0xFFFFF086  }
0x1c: {  	p1 =	slt.u32 s9, $0xF7A;
	s5 =	simm.s32 @!p2 $0x0  }
0x1d: {  	s5 =	simm.s32 @p1 $0x1;
	p0 =	seq.s32 s7, s2  }
0x1e: {  	s7 =	smul.u32 @!p0 $0xF7A, s2;
	p2 =	seq.s32 @!p0 s5, $0x0  }
0x1f: {  	s9 =	smul.u32 $0xF7A, s1;
	s8 =	simm.s32 @!p0 $0x1BF5;
	p2 =	por !p2, p0  }
0x20: {  	[sflag:s8] =	ssyncset.s32 @!p0 $0xFFFFF086;
	s6 =	sadd.s32 @!p0 s3, s7;
	s7 =	simm.s32 @!p0 $0x108  }
0x21: {  	s3 =	sadd.s32 s3, s9;
	s6 =	sadd.s32 @!p0 $0x88, s6;
	s7 =	simm.s32 @p2 $0x1082  }
0x22: {  	[simem:s7], [sflag:s8] =	dma.local @!p0 [hbm:s6], $0xF7A  }
0x23: {  	s9 =	sor.u32 $0xD0000000, s2;
	s6 =	simm.s32 $0x108;
	_ =	swait.ge @!p0 [sflag:s8], $0x0  }
0x24: {  	s3 =	sadd.s32 $0x88, s3;
	s6 =	simm.s32 @!p1 $0x1082;
	[sflag:s4] =	ssyncset.s32 $0xFFFFF086  }
0x25: {  	[simem:s6], [sflag:s4] =	dma.local [hbm:s3], $0xF7A  }
0x26: {  	[smem:$0x3FA0] =	sst s1;
	(tag) =	ssettag s2;
	_ =	strace s9  }
0x27: {  	s1 =	sld [smem:$0x3FB0]  }
0x28: {  	s2 =	sld [smem:$0x3FB1]  }
0x29: {  	s4 =	sld [smem:$0x3FB3]  }
0x2a: {  	p0 =	seq.s32 s5, $0x0;
	s5 =	sld [smem:$0x3FB4]  }
0x2b: {  	s6 =	sld [smem:$0x3FB5]  }
0x2c: {  	s7 =	sld [smem:$0x3FB6]  }
0x2d: {  	s3 =	simm.s32 $0x108;
	s8 =	sld [smem:$0x3FB7]  }
0x2e: {  	s3 =	simm.s32 @!p0 $0x1082;
	s9 =	sld [smem:$0x3FB8]  }
0x2f: {  	lr =	sadd.s32 s0, s3;
	s0 =	sld [smem:$0x3FAF]  }
0x30: {  	s3 =	sld [smem:$0x3FB2]  }
0x31: {  	[smem:$0x3FBB] =	sst s10  }
0x32: {  	s10 =	sld [smem:$0x3FB9];
	_ =	sdelay $0x3  }
0x33: {  	p0 =	seq.s32 s10, $0x1;
	s10 =	sld [smem:$0x3FBB];
	_ =	sdelay $0x3  }
0x34: {  	[smem:$0x3FBB] =	sst s10  }
0x35: {  	s10 =	sld [smem:$0x3FBA];
	_ =	sdelay $0x3  }
0x36: {  	p1 =	seq.s32 s10, $0x1;
	s10 =	sld [smem:$0x3FBB];
	_ =	sdelay $0x3  }
0x37: {  	[smem:$0x3FBB] =	sst s10  }
0x38: {  	s10 =	sld [smem:$0x3FBC]  }
0x39: {  	_ = 	snop;
	(pc) =	sbr.ind lr, $3  }
0x3a: {  	_ = 	snop  }
0x3b: {  	_ = 	snop  }
0x3c: {  	p2 =	seq.s32 s10, $0x1;
	s10 =	sld [smem:$0x3FBB]  }
0x3d: {  	_ =	shalt  }
0x3e: {  	_ =	shalt  }
0x3f: {  	_ =	shalt  }
0x40: {  	_ =	shalt  }
0x41: {  	_ =	shalt  }
0x42: {  	_ =	shalt  }
0x43: {  	_ =	shalt  }
0x44: {  	_ =	shalt  }
0x45: {  	_ =	shalt  }
0x46: {  	_ =	shalt  }
0x47: {  	_ =	shalt  }
0x48: {  	_ =	shalt  }
0x49: {  	_ =	shalt  }
0x4a: {  	_ =	shalt  }
0x4b: {  	_ =	shalt  }
0x4c: {  	_ =	shalt  }
0x4d: {  	_ =	shalt  }
0x4e: {  	_ =	shalt  }
0x4f: {  	_ =	shalt  }
0x50: {  	_ =	shalt  }
0x51: {  	_ =	shalt  }
0x52: {  	_ =	shalt  }
0x53: {  	_ =	shalt  }
0x54: {  	_ =	shalt  }
0x55: {  	_ =	shalt  }
0x56: {  	_ =	shalt  }
0x57: {  	_ =	shalt  }
0x58: {  	_ =	shalt  }
0x59: {  	_ =	shalt  }
0x5a: {  	_ =	shalt  }
0x5b: {  	_ =	shalt  }
0x5c: {  	_ =	shalt  }
0x5d: {  	_ =	shalt  }
0x5e: {  	_ =	shalt  }
0x5f: {  	_ =	shalt  }
0x60: {  	_ =	shalt  }
0x61: {  	_ =	shalt  }
0x62: {  	_ =	shalt  }
0x63: {  	_ =	shalt  }
0x64: {  	_ =	shalt  }
0x65: {  	_ =	shalt  }
0x66: {  	_ =	shalt  }
0x67: {  	_ =	shalt  }
0x68: {  	_ =	shalt  }
0x69: {  	_ =	shalt  }
0x6a: {  	_ =	shalt  }
0x6b: {  	_ =	shalt  }
0x6c: {  	_ =	shalt  }
0x6d: {  	_ =	shalt  }
0x6e: {  	_ =	shalt  }
0x6f: {  	_ =	shalt  }
0x70: {  	_ =	shalt  }
0x71: {  	_ =	shalt  }
0x72: {  	_ =	shalt  }
0x73: {  	_ =	shalt  }
0x74: {  	_ =	shalt  }
0x75: {  	_ =	shalt  }
0x76: {  	_ =	shalt  }
0x77: {  	_ =	shalt  }
0x78: {  	_ =	shalt  }
0x79: {  	_ =	shalt  }
0x7a: {  	_ =	shalt  }
0x7b: {  	_ =	shalt  }
0x7c: {  	_ =	shalt  }
0x7d: {  	_ =	shalt  }
0x7e: {  	_ =	shalt  }
0x7f: {  	_ =	shalt  }
0x80: {  	_ =	shalt  }
0x81: {  	_ =	shalt  }
0x82: {  	_ =	shalt  }
0x83: {  	_ =	shalt  }
0x84: {  	_ =	shalt  }
0x85: {  	_ =	shalt  }
0x86: {  	_ =	shalt  }
0x87: {  	_ =	shalt  }
.Lfunc_end0:
.L_simem_size_0:
called_computation_lowered:
.L_overlay_start_0:
0x88: {  	s2 =	sld [smem:$0x3FD9]  }
0x89: {  	s3 =	sld [smem:$0x3FFE];
	_ =	sdelay $0x1  }
0x8a: {  	s1 =	srdreg.scid  }
0x8b: {  	s0 =	sand.u32 $0x1, s1  }
0x8c: {  	s18 =	sshll.u32 s0, $0xA;
	s2 =	sadd.s32 s3, s2  }
0x8d: {  	s2 =	sadd.s32 s2, s18  }
0x8e: {  	[smem:$0x3FC7] =	sst s2  }
0x8f: {  	_ = 	snop  }
0x90: {  	s2 =	sld [smem:$0x3FC9]  }
0x91: {  	s19 =	sld [smem:$0x3FD0];
	(tm) =	ssettm $0x1  }
0x92: {  	s4 =	sld [smem:$0x3FFB];
	_ =	sdelay $0x3  }
0x93: {  	_ =	strace s4  }
0x94: {  	s4 =	sld [smem:$0x3FFC];
	_ =	sdelay $0x3  }
0x95: {  	_ =	strace s4  }
0x96: {  	s4 =	sld [smem:$0x3FFD];
	_ =	sdelay $0x3  }
0x97: {  	_ =	strace s4  }
0x98: {  	_ =	strace $0x8FFFFFFF  }
0x99: {  	s20 =	sld [smem:$0x3FDB];
	_ =	sdelay $0x1  }
0x9a: {  	s5 =	simm.s32 $_scs_section_size  }
0x9b: {  	s6 =	simm.s32 $_size__tile_overlayer_lowered;
	s7 =	simm.s32 $_tile_overlayer_lowered  }
0x9c: {  	s23 =	simm.s32 $0x1BFF;
	s22 =	sshll.u32 s7, $0x1;
	s4 =	sadd.s32 s5, s20  }
0x9d: {  	s8 =	simm.s32 $0x0;
	s21 =	sshll.u32 s6, $0x1;
	s6 =	sadd.s32 s22, s4  }
0x9e: {  	[timem:s8], [sflag:s23] =	dma.local [hbm:s6], s21  }
0x9f: {  	_ =	swait.ge [sflag:s23], s21  }
0xa0: {  	s5 =	ssub.s32 $0x0, s21;
	[sflag:s23] =	ssyncset.done $0x0  }
0xa1: {  	[sflag:s23] =	ssyncadd.s32 s5;
	_ =	sdelay $0x1  }
0xa2: {  	s24 =	simm.s32 $0x1B8B  }
0xa3: {  	_ =	swait.ge [sflag:s24], $0x1  }
0xa4: {  	[sflag:s24] =	ssyncset.done $0x0  }
0xa5: {  	s25 =	simm.s32 $0x1B8E;
	[sflag:s24] =	ssyncadd.s32 $0xFFFFFFFF  }
0xa6: {  	s26 =	simm.s32 $execute0_lowered;
	[smem:$0x3FD2] =	sst s25  }
0xa7: {  	s5 =	sshll.u32 s26, $0x1;
	_ =	strace $0x80000046;
	[dreg:$0x1] =	wrdreg $0xFFFFFFFF  }
0xa8: {  	s28 =	simm.s32 $_size_execute0_lowered;
	s4 =	sadd.s32 s4, s5;
	[dreg:$0x0] =	wrdreg $0x0  }
0xa9: {  	s5 =	sshll.u32 s28, $0x1;
	[dreg:$0x2] =	wrdreg s4  }
0xaa: {  	[dreg:$0x3] =	wrdreg s5  }
0xab: {  	[dreg:$0x4] =	wrdreg $0xC0  }
0xac: {  	_ =	task [dreg:s8], $0x5FFFF  }
0xad: {  	[dreg:$0x1] =	wrdreg $0xFFFFFFFF  }
0xae: {  	[dreg:$0x0] =	wrdreg $0x60  }
0xaf: {  	[dreg:$0x2] =	wrdreg s2  }
0xb0: {  	[dreg:$0x3] =	wrdreg s19  }
0xb1: {  	[dreg:$0x4] =	wrdreg $0xD100  }
0xb2: {  	[dreg:$0x5] =	wrdreg $0x9  }
0xb3: {  	_ =	task.clear_ibuf [dreg:s8], $0x6FFFF;
	_ =	strace $0x90000046  }
0xb4: {  	s29 =	simm.s32 $0x9;
	_ =	strace $0x80000048  }
0xb5: {  	_ =	swait.ge [sflag:s29], $0x1  }
0xb6: {  	[sflag:s29] =	ssyncadd.s32 $0xFFFFFFFF  }
0xb7: {  	_ =	strace $0x90000048  }
0xb8: {  	_ =	sfence  }
0xb9: {  	s30 =	sld [smem:$0x0];
	_ =	sdelay $0x2  }
0xba: {  	s31 =	sshll.u32 s1, $0xD;
	s1 =	sshrl.u32 s1, $0x2  }
0xbb: {  	s3 =	sand.u32 $0x4000, s31;
	s1 =	sadd.s32 s1, s30  }
0xbc: {  	s0 =	sor.u32 s3, s0;
	s1 =	sshll.u32 s1, $0x11  }
0xbd: {  	s0 =	sor.u32 s1, s0  }
0xbe: {  	s0 =	sadd.s32 $0x8F2B, s0  }
0xbf: {  	[sflag:s0] =	ssyncadd.remote.s32 $0x1  }
0xc0: {  	_ =	sfence.sel $0xFFFF  }
0xc1: {  	[dreg:$0x0] =	wrdreg $0xFFFFFFFF;
	(pc) =	sbr.abs _section_cstart, $3  }
0xc2: {  	[dreg:$0x1] =	wrdreg $0xFFFFFFFF  }
0xc3: {  	_ =	task.clear_ibuf [dreg:s8], $0x2FFFF;
	_ =	strace $0x9FFFFFFF  }
0xc4: {  	(tm) =	ssettm $0x7FFFFFFF  }
0xc5: {  	_ =	shalt  }
tec
execute0_lowered:
.L_overlay_start_1:
0x0: {  	(tag) =	ssettag $0x1  }
0x1: {  	s2 =	srdreg.scid;
	s1 =	rddreg [dreg:$0x0]  }
0x2: {  	s0 =	stileid.u32;
	s7 =	rddreg [dreg:$0x1]  }
0x3: {  	s3 =	rddreg [dreg:$0x2];
	s4 =	simm.s32 $0x0;
	s20 =	simm.s32 $0x3  }
0x4: {  	s21 =	simm.s32 $0xBD0;
	s22 =	simm.s32 $0x3E8;
	s6 =	smul.u32 $0x3200, s0  }
0x5: {  	s23 =	simm.s32 $0x7D0;
	s24 =	simm.s32 $0x1;
	s12 =	smul.u32 $0xC80, s0  }
0x6: {  	s26 =	simm.s32 $0x2;
	s10 =	sand.u32 $0x1, s2;
	s15 =	smul.u32 $0xC350, s0  }
0x7: {  	s28 =	simm.s32 $0x0;
	s31 =	sshll.u32 s0, $0x1;
	s9 =	smul.u32 $0xC800, s10  }
0x8: {  	[smem:$0x7FF] =	sst s4;
	s2 =	sor.u32 s10, s31;
	s16 =	smul.u32 $0x61A8, s10  }
0x9: {  	s8 =	ssub.s32 $0x2, s10;
	s5 =	smul.u32 $0x61A8, s2;
	s2 =	rddreg [dreg:$0x3]  }
0xa: {  	s11 =	sshrl.u32 s8, $0x1;
	_ =	strace $0x80000047;
	s6 =	sshrl.u32 s6, $0x2  }
0xb: {  	s25 =	sadd.s32 s12, s3;
	s8 =	ssub.s32 s8, s11;
	s9 =	sadd.s32 s12, s9  }
0xc: {  	s6 =	sadd.s32 s6, s3;
	s18 =	sadd.s32 s16, s15;
	s25 =	sshrl.u32 s25, $0x3  }
0xd: {  	s5 =	sshrl.u32 s5, $0x3;
	s9 =	sshrl.u32 s9, $0x3;
	s8 =	smax.u32 s8, $0x1  }
0xe: {  	s10 =	sadd.s32 $0x280, s6;
	s11 =	sadd.s32 $0x3C0, s6;
	s12 =	sadd.s32 $0x500, s6  }
0xf: {  	s13 =	sadd.s32 $0x640, s6;
	s14 =	sadd.s32 $0x780, s6;
	s15 =	sadd.s32 $0x8C0, s6  }
0x10: {  	s16 =	sadd.s32 $0xA00, s6;
	s19 =	sadd.s32 $0x3E8, s18;
	s17 =	sadd.s32 $0xB40, s6  }
0x11: {  	s18 =	sadd.s32 $0x7D0, s18;
	s5 =	sadd.s32 s1, s5;
	s19 =	sshrl.u32 s19, $0x3  }
0x12: {  	v0 =	vimm.f32 $1.000000000e+00;
	v1 =	vimm.f32 $0.0e+00;
	s7 =	sadd.s32 s7, s9;
	s9 =	sadd.s32 $0x140, s6;
	s19 =	sadd.s32 s19, s1  }
.LBB2_1:
0x13: {  	s29 =	simm.s32 $0x40;
	s30 =	simm.s32 $0x0  }
.LBB2_2:
0x14: {  	p0 =	sne.s32 s29, $0xFC0;
	[tilespmem:s30+$0x7D0] =	vst v0;
	s30 =	smov.u32 s29;
	s29 =	sadd.s32 $0x40, s29  }
.Ltmp0:
0x15: {  	(pc) =	sbr.rel @p0 .LBB2_2-.Ltmp0, $2  }
0x16: {  	_ =	sdelay $0x2  }
0x17: {  	s30 =	sshra.s32 s30, $0x2  }
0x18: {  	[tilespmem:s30+$0x7D0] =	vst v0  }
0x19: {  	[tilespmem:$0xBD0] =	vst v1  }
0x1a: {  	[tilespmem:$0xBE0] =	vst v1  }
0x1b: {  	[tilespmem:$0xBF0] =	vst v1  }
0x1c: {  	[tilespmem:$0xC00] =	vst v1  }
0x1d: {  	[tilespmem:$0xC10] =	vst v1  }
0x1e: {  	[tilespmem:$0xC20] =	vst v1  }
0x1f: {  	[tilespmem:$0xC30] =	vst v1  }
0x20: {  	[tilespmem:$0xC40] =	vst v1  }
0x21: {  	[tilespmem:$0xC50] =	vst v1  }
0x22: {  	[tilespmem:$0xC60] =	vst v1  }
0x23: {  	[tilespmem:$0xC70] =	vst v1  }
0x24: {  	[tilespmem:$0xC80] =	vst v1  }
0x25: {  	[tilespmem:$0xC90] =	vst v1  }
0x26: {  	[tilespmem:$0xCA0] =	vst v1  }
0x27: {  	[tilespmem:$0xCB0] =	vst v1  }
0x28: {  	[tilespmem:$0xCC0] =	vst v1  }
0x29: {  	[tilespmem:$0xCD0] =	vst v1  }
0x2a: {  	[tilespmem:$0xCE0] =	vst v1  }
0x2b: {  	[tilespmem:$0xCF0] =	vst v1  }
0x2c: {  	s29 =	simm.s32 $0x0;
	[tilespmem:$0xD00] =	vst v1  }
0x2d: {  	[tilespmem:s29], [sflag:$0x3] =	stream.linear.gather [hbm4b:s5+s29], $0x3E8, $0x38;
	[tilespmem:$0x1990] =	vst v63  }
0x2e: {  	_ =	swait.ge [sflag:s20], $0x3E8  }
0x2f: {  	[sflag:s20] =	ssyncset.done $0x0  }
0x30: {  	[sflag:s20] =	ssyncadd.s32 $0xFFFFFC18  }
0x31: {  	[spmem:s6] =	stream.linear.scatter [tilespmem:s21], [sflag:$0x3], $0x140, $0x38;
	[tilespmem:$0x1990] =	vst v63  }
0x32: {  	_ =	swait.ge [sflag:s20], $0x140  }
0x33: {  	[sflag:s20] =	ssyncset.done $0x0  }
0x34: {  	[sflag:s20] =	ssyncadd.s32 $0xFFFFFEC0  }
0x35: {  	[spmem:s9] =	stream.linear.scatter [tilespmem:s21], [sflag:$0x3], $0x140, $0x38;
	[tilespmem:$0x1990] =	vst v63  }
0x36: {  	_ =	swait.ge [sflag:s20], $0x140  }
0x37: {  	[sflag:s20] =	ssyncset.done $0x0  }
0x38: {  	[sflag:s20] =	ssyncadd.s32 $0xFFFFFEC0  }
0x39: {  	[spmem:s10] =	stream.linear.scatter [tilespmem:s21], [sflag:$0x3], $0x140, $0x38;
	[tilespmem:$0x1990] =	vst v63  }
0x3a: {  	_ =	swait.ge [sflag:s20], $0x140  }
0x3b: {  	[sflag:s20] =	ssyncset.done $0x0  }
0x3c: {  	[sflag:s20] =	ssyncadd.s32 $0xFFFFFEC0  }
0x3d: {  	[spmem:s11] =	stream.linear.scatter [tilespmem:s21], [sflag:$0x3], $0x140, $0x38;
	[tilespmem:$0x1990] =	vst v63  }
0x3e: {  	_ =	swait.ge [sflag:s20], $0x140  }
0x3f: {  	[sflag:s20] =	ssyncset.done $0x0  }
0x40: {  	[sflag:s20] =	ssyncadd.s32 $0xFFFFFEC0  }
0x41: {  	[spmem:s12] =	stream.linear.scatter [tilespmem:s21], [sflag:$0x3], $0x140, $0x38;
	[tilespmem:$0x1990] =	vst v63  }
0x42: {  	_ =	swait.ge [sflag:s20], $0x140  }
0x43: {  	[sflag:s20] =	ssyncset.done $0x0  }
0x44: {  	[sflag:s20] =	ssyncadd.s32 $0xFFFFFEC0  }
0x45: {  	[spmem:s13] =	stream.linear.scatter [tilespmem:s21], [sflag:$0x3], $0x140, $0x38;
	[tilespmem:$0x1990] =	vst v63  }
0x46: {  	_ =	swait.ge [sflag:s20], $0x140  }
0x47: {  	[sflag:s20] =	ssyncset.done $0x0  }
0x48: {  	[sflag:s20] =	ssyncadd.s32 $0xFFFFFEC0  }
0x49: {  	[spmem:s14] =	stream.linear.scatter [tilespmem:s21], [sflag:$0x3], $0x140, $0x38;
	[tilespmem:$0x1990] =	vst v63  }
0x4a: {  	_ =	swait.ge [sflag:s20], $0x140  }
0x4b: {  	[sflag:s20] =	ssyncset.done $0x0  }
0x4c: {  	[sflag:s20] =	ssyncadd.s32 $0xFFFFFEC0  }
0x4d: {  	[spmem:s15] =	stream.linear.scatter [tilespmem:s21], [sflag:$0x3], $0x140, $0x38;
	[tilespmem:$0x1990] =	vst v63  }
0x4e: {  	_ =	swait.ge [sflag:s20], $0x140  }
0x4f: {  	[sflag:s20] =	ssyncset.done $0x0  }
0x50: {  	[sflag:s20] =	ssyncadd.s32 $0xFFFFFEC0  }
0x51: {  	[spmem:s16] =	stream.linear.scatter [tilespmem:s21], [sflag:$0x3], $0x140, $0x38;
	[tilespmem:$0x1990] =	vst v63  }
0x52: {  	_ =	swait.ge [sflag:s20], $0x140  }
0x53: {  	[sflag:s20] =	ssyncset.done $0x0  }
0x54: {  	[sflag:s20] =	ssyncadd.s32 $0xFFFFFEC0  }
0x55: {  	[spmem:s17] =	stream.linear.scatter [tilespmem:s21], [sflag:$0x3], $0x140, $0x38;
	[tilespmem:$0x1990] =	vst v63  }
0x56: {  	_ =	swait.ge [sflag:s20], $0x140  }
0x57: {  	[sflag:s20] =	ssyncset.done $0x0  }
0x58: {  	[sflag:s20] =	ssyncadd.s32 $0xFFFFFEC0  }
0x59: {  	[bflag:$0x0] =	sbarrier.arrive $0xFFFF  }
0x5a: {  	[spmem:s3] =	stream.indirect.scatter.add.f32 [tilespmem:s23], [sflag:$0x1], $0x1, s29, s22, $0xb8;
	[tilespmem:$0x1990] =	vst v63  }
0x5b: {  	s29 =	sadd.s32 $0x0, s19  }
0x5c: {  	[tilespmem:s22], [sflag:$0x3] =	stream.linear.gather [hbm4b:s29+s4], $0x3E8, $0x38;
	[tilespmem:$0x1990] =	vst v63  }
0x5d: {  	_ =	swait.ge [sflag:s20], $0x3E8  }
0x5e: {  	[sflag:s20] =	ssyncset.done $0x0  }
0x5f: {  	[sflag:s20] =	ssyncadd.s32 $0xFFFFFC18  }
0x60: {  	_ =	swait.ge [sflag:s24], $0x3E8  }
0x61: {  	[sflag:s24] =	ssyncset.done $0x0  }
0x62: {  	s29 =	sshrl.u32 s18, $0x3;
	[sflag:s24] =	ssyncadd.s32 $0xFFFFFC18  }
0x63: {  	[spmem:s3] =	stream.indirect.scatter.add.f32 [tilespmem:s23], [sflag:$0x2], $0x1, s22, s22, $0xb8;
	[tilespmem:$0x1990] =	vst v63  }
0x64: {  	s29 =	sadd.s32 s1, s29  }
0x65: {  	[tilespmem:s4], [sflag:$0x3] =	stream.linear.gather [hbm4b:s29+s4], $0x3E8, $0x38;
	[tilespmem:$0x1990] =	vst v63  }
0x66: {  	_ =	swait.ge [sflag:s20], $0x3E8  }
0x67: {  	[sflag:s20] =	ssyncset.done $0x0  }
0x68: {  	[sflag:s20] =	ssyncadd.s32 $0xFFFFFC18  }
0x69: {  	_ =	swait.ge [sflag:s26], $0x3E8  }
0x6a: {  	[sflag:s26] =	ssyncset.done $0x0  }
0x6b: {  	s30 =	sadd.s32 $0x7D0, s18;
	s29 =	simm.s32 $0xFA;
	[sflag:s26] =	ssyncadd.s32 $0xFFFFFC18  }
.LBB2_4:
0x6c: {  	[spmem:s3] =	stream.indirect.scatter.add.f32 [tilespmem:s23], [sflag:$0x1], $0x1, s4, s22, $0xb8;
	[tilespmem:$0x1990] =	vst v63  }
0x6d: {  	s31 =	sadd.s32 s29, s19;
	p0 =	sne.s32 s29, $0xABE;
	s29 =	sadd.s32 $0xFA, s29  }
0x6e: {  	[tilespmem:s22], [sflag:$0x3] =	stream.linear.gather [hbm4b:s31+s4], $0x3E8, $0x38;
	[tilespmem:$0x1990] =	vst v63  }
0x6f: {  	_ =	swait.ge [sflag:s20], $0x3E8  }
0x70: {  	[sflag:s20] =	ssyncset.done $0x0  }
0x71: {  	[sflag:s20] =	ssyncadd.s32 $0xFFFFFC18  }
0x72: {  	_ =	swait.ge [sflag:s24], $0x3E8  }
0x73: {  	[sflag:s24] =	ssyncset.done $0x0  }
0x74: {  	s31 =	sshrl.u32 s30, $0x3;
	[sflag:s24] =	ssyncadd.s32 $0xFFFFFC18  }
0x75: {  	[spmem:s3] =	stream.indirect.scatter.add.f32 [tilespmem:s23], [sflag:$0x2], $0x1, s22, s22, $0xb8;
	[tilespmem:$0x1990] =	vst v63  }
0x76: {  	s31 =	sadd.s32 s1, s31  }
0x77: {  	[tilespmem:s4], [sflag:$0x3] =	stream.linear.gather [hbm4b:s31+s4], $0x3E8, $0x38;
	[tilespmem:$0x1990] =	vst v63  }
0x78: {  	_ =	swait.ge [sflag:s20], $0x3E8  }
.Ltmp1:
0x79: {  	[sflag:s20] =	ssyncset.done $0x0;
	(pc) =	sbr.rel @p0 .LBB2_4-.Ltmp1, $4  }
0x7a: {  	[sflag:s20] =	ssyncadd.s32 $0xFFFFFC18  }
0x7b: {  	_ =	swait.ge [sflag:s26], $0x3E8  }
0x7c: {  	[sflag:s26] =	ssyncset.done $0x0  }
0x7d: {  	s30 =	sadd.s32 $0x7D0, s30;
	[sflag:s26] =	ssyncadd.s32 $0xFFFFFC18  }
0x7e: {  	[spmem:s3] =	stream.indirect.scatter.add.f32 [tilespmem:s23], [sflag:$0x1], $0x1, s4, s22, $0xb8;
	[tilespmem:$0x1990] =	vst v63  }
0x7f: {  	_ =	swait.ge [sflag:s24], $0x3E8  }
0x80: {  	s28 =	sadd.s32 $0x1, s28;
	[sflag:s24] =	ssyncset.done $0x0  }
0x81: {  	s29 =	sshll.u32 s0, $0x6;
	p0 =	sne.s32 s28, s8;
	[sflag:s24] =	ssyncadd.s32 $0xFFFFFC18  }
.Ltmp2:
0x82: {  	s29 =	sor.u32 $0x1C03, s29;
	[bflag:$0x0] =	sbarrier.arrive $0xFFFF;
	(pc) =	sbr.rel @p0 .LBB2_1-.Ltmp2, $4  }
0x83: {  	[hbm:s7], [sflag:s29] =	dma.local [spmem:s25], $0x190  }
0x84: {  	_ =	swait.ge [sflag:s20], $0x190  }
0x85: {  	[sflag:s20] =	ssyncset.done $0x0  }
0x86: {  	[sflag:s20] =	ssyncadd.s32 $0xFFFFFE70  }
0x87: {  	_ =	sfence.sel $0x180000  }
0x88: {  	[bflag:$0x0] =	sbarrier.arrive $0xFFFF  }
0x89: {  	p0 =	sne.s32 s0, $0x0;
	_ =	strace $0x90000047  }
0x8a: {  	s0 =	sadd.s32 @!p0 $0x100000, s2;
	[bflag:$0x2] =	sbarrier.arrive $0xFFFF  }
0x8b: {  	[sflag:s0] =	ssyncadd.tile.s32 @!p0 $0x1;
	_ =	shalt  }
.Lfunc_end2:
_tile_overlayer_lowered:
.L_overlay_start_2:
0x8c: {  	(tag) =	ssettag $0x2  }
0x8d: {  	s0 =	rddreg [dreg:$0x0];
	s2 =	stileid.u32  }
0x8e: {  	s1 =	rddreg [dreg:$0x1];
	p0 =	sne.s32 s2, $0x0  }
0x8f: {  	s3 =	rddreg [dreg:$0x2];
	[bflag:$0x3] =	sbarrier.arrive $0xFFFF;
	s2 =	simm.s32 @!p0 $0x1C03  }
0x90: {  	[timem:s3], [sflag:s2] =	dma.local @!p0 [hbm:s0], s1  }
0x91: {  	s0 =	simm.s32 @!p0 $0x3  }
0x92: {  	_ =	swait.ge @!p0 [sflag:s0], s1  }
0x93: {  	s1 =	ssub.s32 @!p0 $0x0, s1;
	[sflag:s0] =	ssyncset.done @!p0 $0x0  }
0x94: {  	[sflag:s0] =	ssyncadd.s32 @!p0 s1  }
0x95: {  	[bflag:$0x3] =	sbarrier.arrive $0xFFFF  }
0x96: {  	_ =	shalt  }

</sc_bundles>
